<compile_context>
chip_gen: v7x
topology: tpu7x:2x2x1
jax: 0.10.2.dev20260603
libtpu: 0.0.44.dev20260713+nightly
codegen_flags: <defaults>
</compile_context>

<pallas_src>
import jax
import jax.numpy as jnp
from jax import lax
from jax.experimental import pallas as pl
from jax.experimental.pallas import tpu as pltpu
from jax.experimental.pallas import tpu_sc as plsc

_NUM_FIELDS = 26
_VOCAB = 100000
_EMBED = 16
_BATCH = 16384

_NC, _NS, _LANES = 2, 16, 16
_NW = _NC * _NS
_NROWS = _NUM_FIELDS * _EMBED
_RPW = _NROWS // _NW
_HV = 49920
_HV2 = 50048
_TAIL = _VOCAB - _HV - _HV2


def _gather_row(row_v, io_v):

    @plsc.parallel_loop(0, _BATCH, step=_LANES, unroll=8)
    def step(b):
        vidx = plsc.bitcast(io_v[pl.ds(b, _LANES)], jnp.int32)
        io_v[pl.ds(b, _LANES)] = plsc.load_gather(row_v, [vidx])


def _body(idx_hbm, tab_hbm, tails_hbm, out_hbm, row_v, io_v,
          sem_r, sem_r2, sem_t, sem_o):
    wid = lax.axis_index("s") * _NC + lax.axis_index("c")
    r0 = wid * _RPW

    def fire_row(r):
        t_row = tab_hbm.at[r // _EMBED, r % _EMBED]
        pltpu.async_copy(t_row.at[pl.ds(0, _HV)],
                         row_v.at[pl.ds(0, _HV)], sem_r)
        pltpu.async_copy(t_row.at[pl.ds(_HV, _HV2)],
                         row_v.at[pl.ds(_HV, _HV2)], sem_r2)
        pltpu.async_copy(tails_hbm.at[pl.ds(r * _TAIL, _TAIL)],
                         row_v.at[pl.ds(_HV + _HV2, _TAIL)], sem_t)

    fire_row(r0)
    pltpu.sync_copy(idx_hbm.at[r0 // _EMBED], io_v)

    def wait_row():
        t_row = tab_hbm.at[0, 0]
        pltpu.make_async_copy(t_row.at[pl.ds(0, _HV)],
                              row_v.at[pl.ds(0, _HV)], sem_r).wait()
        pltpu.make_async_copy(t_row.at[pl.ds(_HV, _HV2)],
                              row_v.at[pl.ds(_HV, _HV2)], sem_r2).wait()
        pltpu.make_async_copy(tails_hbm.at[pl.ds(0, _TAIL)],
                              row_v.at[pl.ds(_HV + _HV2, _TAIL)],
                              sem_t).wait()

    def wait_out(r):
        pltpu.make_async_copy(io_v, out_hbm.at[r], sem_o).wait()

    def do_row(i, carry):
        r = r0 + i
        rn = r + 1
        wait_row()
        _gather_row(row_v, io_v)
        fire_row(rn)
        pltpu.async_copy(io_v, out_hbm.at[r], sem_o)
        wait_out(r)
        pltpu.sync_copy(idx_hbm.at[rn // _EMBED], io_v)
        return carry

    lax.fori_loop(0, _RPW - 1, do_row, 0)

    r_last = r0 + _RPW - 1
    wait_row()
    _gather_row(row_v, io_v)
    pltpu.async_copy(io_v, out_hbm.at[r_last], sem_o)
    wait_out(r_last)


_mesh = plsc.VectorSubcoreMesh(
    core_axis_name="c", subcore_axis_name="s",
    num_cores=_NC, num_subcores=_NS)

_launch = pl.kernel(
    _body,
    out_type=jax.ShapeDtypeStruct((_NROWS, _BATCH), jnp.float32),
    mesh=_mesh,
    scratch_types=[
        pltpu.VMEM((_VOCAB,), jnp.float32),
        pltpu.VMEM((_BATCH,), jnp.float32),
        pltpu.SemaphoreType.DMA,
        pltpu.SemaphoreType.DMA,
        pltpu.SemaphoreType.DMA,
        pltpu.SemaphoreType.DMA,
    ],
    compiler_params=pltpu.CompilerParams(needs_layout_passes=False),
)


@jax.jit
def kernel(indices, tables):
    tab_t = tables.transpose(0, 2, 1)
    idx_t = lax.bitcast_convert_type(indices.T, jnp.float32)
    tails = tab_t[:, :, _HV + _HV2:].reshape(-1)
    out_t = _launch(idx_t, tab_t, tails)
    return out_t.T

# --- scband reference (transcript-rebuilt; emitter-appended) ---
"""Pipeline reference for scband-embedding-layer-cat-49014166782152 (READ-ONLY COPY).

The authoritative reference and input builder live on the scoring server;
editing this copy changes nothing except your own understanding.
"""

import jax, jax.numpy as jnp
import numpy as np

NUM_FIELDS = 26
VOCAB = 100000
EMBED_DIM = 16
BATCH = 16384

def setup_inputs(seed: int = 0) -> dict:
    key = jax.random.key(seed)
    k_idx, k_tab = jax.random.split(key)
    indices = jax.random.randint(k_idx, (BATCH, NUM_FIELDS), 0, VOCAB, dtype=jnp.int32)
    # One embedding table per categorical column, stacked: [n_fields, vocab, embed_dim]
    tables = jax.random.normal(k_tab, (NUM_FIELDS, VOCAB, EMBED_DIM), dtype=jnp.float32) * 0.05
    return {"indices": indices, "tables": tables}

def reference(indices, tables):
    # Faithful translation of EmbeddingLayerCat.call:
    # for each column i: slice input[:, i], look up embedding_i, then concat on axis=1.
    embeddings = []
    for i in range(NUM_FIELDS):
        col = indices[:, i]                      # [B] int
        emb = jnp.take(tables[i], col, axis=0)   # [B, embed_dim] gather (SparseCore embedding lookup)
        embeddings.append(emb)
    return jnp.concatenate(embeddings, axis=1)   # [B, n_fields * embed_dim]

if __name__ == "__main__":
    import jax
    _d = setup_inputs()
    print(jax.jit(kernel)(*tuple(_d.values())))

</pallas_src>

<mosaic_0001>
#map = affine_map<(d0, d1) -> (0, 0)>
#map1 = affine_map<(d0, d1) -> (0, 0, 0)>
#map2 = affine_map<(d0, d1) -> (0)>
module attributes {stable_mosaic.version = 14 : i64} {
  func.func @_body(%arg0: i32, %arg1: i32, %arg2: memref<26x16384xf32, #tpu.memory_space<hbm>>, %arg3: memref<26x16x100000xf32, #tpu.memory_space<hbm>>, %arg4: memref<13312xf32, #tpu.memory_space<hbm>>, %arg5: memref<416x16384xf32, #tpu.memory_space<hbm>>, %arg6: memref<100000xf32, #tpu.memory_space<vmem>>, %arg7: memref<16384xf32, #tpu.memory_space<vmem>>, %arg8: memref<!tpu.dma_semaphore, #tpu.memory_space<semaphore_mem>>, %arg9: memref<!tpu.dma_semaphore, #tpu.memory_space<semaphore_mem>>, %arg10: memref<!tpu.dma_semaphore, #tpu.memory_space<semaphore_mem>>, %arg11: memref<!tpu.dma_semaphore, #tpu.memory_space<semaphore_mem>>) attributes {dimension_semantics = [#tpu.dimension_semantics<core_parallel>, #tpu.dimension_semantics<subcore_parallel>], iteration_bounds = array<i64: 2, 16>, scalar_prefetch = 0 : i64, scratch_operands = 6 : i64, tpu.core_type = #tpu.core_type<sc_vector_subcore>, window_params = [{transform_indices = #map}, {transform_indices = #map1}, {transform_indices = #map2}, {transform_indices = #map}]} {
    %mul3A = arith.constant 2 : i32
    %mul3A_0 = arith.muli %arg1, %mul3A : i32
    %add3A = arith.addi %mul3A_0, %arg0 : i32
    %mul3A_1 = arith.constant 13 : i32
    %mul3A_2 = arith.muli %add3A, %mul3A_1 : i32
    %jit3A = arith.constant 16 : i32
    %div3A = arith.divsi %mul3A_2, %jit3A : i32
    %sign3A = arith.constant 0 : i32
    %sign3A_3 = arith.cmpi sgt, %mul3A_2, %sign3A : i32
    %sign3A_4 = arith.extui %sign3A_3 : i1 to i32
    %sign3A_5 = arith.constant 0 : i32
    %sign3A_6 = arith.cmpi slt, %mul3A_2, %sign3A_5 : i32
    %sign3A_7 = arith.extui %sign3A_6 : i1 to i32
    %sign3A_8 = arith.subi %sign3A_4, %sign3A_7 : i32
    %sign3A_9 = arith.constant 0 : i32
    %sign3A_10 = arith.cmpi sgt, %jit3A, %sign3A_9 : i32
    %sign3A_11 = arith.extui %sign3A_10 : i1 to i32
    %sign3A_12 = arith.constant 0 : i32
    %sign3A_13 = arith.cmpi slt, %jit3A, %sign3A_12 : i32
    %sign3A_14 = arith.extui %sign3A_13 : i1 to i32
    %sign3A_15 = arith.subi %sign3A_11, %sign3A_14 : i32
    %ne3A = arith.cmpi ne, %sign3A_8, %sign3A_15 : i32
    %rem3A = arith.remsi %mul3A_2, %jit3A : i32
    %ne3A_16 = arith.constant 0 : i32
    %ne3A_17 = arith.cmpi ne, %rem3A, %ne3A_16 : i32
    %and3A = arith.andi %ne3A, %ne3A_17 : i1
    %sub3A = arith.constant 1 : i32
    %sub3A_18 = arith.subi %div3A, %sub3A : i32
    %select_n3A = arith.select %and3A, %sub3A_18, %div3A : i32
    %jit3A_19 = arith.constant 16 : i32
    %eq3A = arith.constant 0 : i32
    %eq3A_20 = arith.cmpi eq, %jit3A_19, %eq3A : i32
    %jit3A_21 = arith.constant 1 : i32
    %select_n3A_22 = arith.select %eq3A_20, %jit3A_21, %jit3A_19 : i32
    %rem3A_23 = arith.remsi %mul3A_2, %select_n3A_22 : i32
    %ne3A_24 = arith.constant 0 : i32
    %ne3A_25 = arith.cmpi ne, %rem3A_23, %ne3A_24 : i32
    %lt3A = arith.constant 0 : i32
    %lt3A_26 = arith.cmpi slt, %rem3A_23, %lt3A : i32
    %lt3A_27 = arith.constant 0 : i32
    %lt3A_28 = arith.cmpi slt, %select_n3A_22, %lt3A_27 : i32
    %ne3A_29 = arith.xori %lt3A_26, %lt3A_28 : i1
    %and3A_30 = arith.andi %ne3A_29, %ne3A_25 : i1
    %add3A_31 = arith.addi %rem3A_23, %select_n3A_22 : i32
    %select_n3A_32 = arith.select %and3A_30, %add3A_31, %rem3A_23 : i32
    %dma_start3A = arith.constant 0 : i32
    %dma_start3A_33 = tpu.memref_slice %arg6[%dma_start3A] : memref<100000xf32, #tpu.memory_space<vmem>> -> memref<49920xf32, #tpu.memory_space<vmem>>
    %dma_start3A_34 = arith.constant 0 : i32
    %dma_start3A_35 = tpu.memref_slice %arg3[%select_n3A, %select_n3A_32, %dma_start3A_34] : memref<26x16x100000xf32, #tpu.memory_space<hbm>> -> memref<1x1x100000xf32, #tpu.memory_space<hbm>>
    %dma_start3A_36 = tpu.memref_squeeze %dma_start3A_35 : memref<1x1x100000xf32, #tpu.memory_space<hbm>> -> memref<100000xf32, #tpu.memory_space<hbm>>
    %dma_start3A_37 = arith.constant 0 : i32
    %dma_start3A_38 = tpu.memref_slice %dma_start3A_36[%dma_start3A_37] : memref<100000xf32, #tpu.memory_space<hbm>> -> memref<49920xf32, #tpu.memory_space<hbm>>
    %dma_start3A_39 = arith.constant 0 : i32
    %dma_start3A_40 = tpu.memref_slice %arg6[%dma_start3A_39] : memref<100000xf32, #tpu.memory_space<vmem>> -> memref<49920xf32, #tpu.memory_space<vmem>>
    %dma_start3A_41 = arith.constant 0 : i32
    %dma_start3A_42 = tpu.memref_slice %arg3[%select_n3A, %select_n3A_32, %dma_start3A_41] : memref<26x16x100000xf32, #tpu.memory_space<hbm>> -> memref<1x1x100000xf32, #tpu.memory_space<hbm>>
    %dma_start3A_43 = tpu.memref_squeeze %dma_start3A_42 : memref<1x1x100000xf32, #tpu.memory_space<hbm>> -> memref<100000xf32, #tpu.memory_space<hbm>>
    %dma_start3A_44 = arith.constant 0 : i32
    %dma_start3A_45 = tpu.memref_slice %dma_start3A_43[%dma_start3A_44] : memref<100000xf32, #tpu.memory_space<hbm>> -> memref<49920xf32, #tpu.memory_space<hbm>>
    tpu.enqueue_dma source(%dma_start3A_45 : memref<49920xf32, #tpu.memory_space<hbm>>) target(%dma_start3A_40 : memref<49920xf32, #tpu.memory_space<vmem>>) target_semaphore(%arg8 : memref<!tpu.dma_semaphore, #tpu.memory_space<semaphore_mem>>)
    %dma_start3A_46 = arith.constant 49920 : i32
    %dma_start3A_47 = tpu.memref_slice %arg6[%dma_start3A_46] : memref<100000xf32, #tpu.memory_space<vmem>> -> memref<50048xf32, #tpu.memory_space<vmem>>
    %dma_start3A_48 = arith.constant 0 : i32
    %dma_start3A_49 = tpu.memref_slice %arg3[%select_n3A, %select_n3A_32, %dma_start3A_48] : memref<26x16x100000xf32, #tpu.memory_space<hbm>> -> memref<1x1x100000xf32, #tpu.memory_space<hbm>>
    %dma_start3A_50 = tpu.memref_squeeze %dma_start3A_49 : memref<1x1x100000xf32, #tpu.memory_space<hbm>> -> memref<100000xf32, #tpu.memory_space<hbm>>
    %dma_start3A_51 = arith.constant 49920 : i32
    %dma_start3A_52 = tpu.memref_slice %dma_start3A_50[%dma_start3A_51] : memref<100000xf32, #tpu.memory_space<hbm>> -> memref<50048xf32, #tpu.memory_space<hbm>>
    %dma_start3A_53 = arith.constant 49920 : i32
    %dma_start3A_54 = tpu.memref_slice %arg6[%dma_start3A_53] : memref<100000xf32, #tpu.memory_space<vmem>> -> memref<50048xf32, #tpu.memory_space<vmem>>
    %dma_start3A_55 = arith.constant 0 : i32
    %dma_start3A_56 = tpu.memref_slice %arg3[%select_n3A, %select_n3A_32, %dma_start3A_55] : memref<26x16x100000xf32, #tpu.memory_space<hbm>> -> memref<1x1x100000xf32, #tpu.memory_space<hbm>>
    %dma_start3A_57 = tpu.memref_squeeze %dma_start3A_56 : memref<1x1x100000xf32, #tpu.memory_space<hbm>> -> memref<100000xf32, #tpu.memory_space<hbm>>
    %dma_start3A_58 = arith.constant 49920 : i32
    %dma_start3A_59 = tpu.memref_slice %dma_start3A_57[%dma_start3A_58] : memref<100000xf32, #tpu.memory_space<hbm>> -> memref<50048xf32, #tpu.memory_space<hbm>>
    tpu.enqueue_dma source(%dma_start3A_59 : memref<50048xf32, #tpu.memory_space<hbm>>) target(%dma_start3A_54 : memref<50048xf32, #tpu.memory_space<vmem>>) target_semaphore(%arg9 : memref<!tpu.dma_semaphore, #tpu.memory_space<semaphore_mem>>)
    %mul3A_60 = arith.constant 32 : i32
    %mul3A_61 = arith.muli %mul3A_2, %mul3A_60 : i32
    %dma_start3A_62 = arith.constant 99968 : i32
    %dma_start3A_63 = tpu.memref_slice %arg6[%dma_start3A_62] : memref<100000xf32, #tpu.memory_space<vmem>> -> memref<32xf32, #tpu.memory_space<vmem>>
    %dma_start3A_64 = tpu.memref_slice %arg4[%mul3A_61] : memref<13312xf32, #tpu.memory_space<hbm>> -> memref<32xf32, #tpu.memory_space<hbm>>
    %dma_start3A_65 = arith.constant 99968 : i32
    %dma_start3A_66 = tpu.memref_slice %arg6[%dma_start3A_65] : memref<100000xf32, #tpu.memory_space<vmem>> -> memref<32xf32, #tpu.memory_space<vmem>>
    %dma_start3A_67 = tpu.memref_slice %arg4[%mul3A_61] : memref<13312xf32, #tpu.memory_space<hbm>> -> memref<32xf32, #tpu.memory_space<hbm>>
    tpu.enqueue_dma source(%dma_start3A_67 : memref<32xf32, #tpu.memory_space<hbm>>) target(%dma_start3A_66 : memref<32xf32, #tpu.memory_space<vmem>>) target_semaphore(%arg10 : memref<!tpu.dma_semaphore, #tpu.memory_space<semaphore_mem>>)
    %jit3A_68 = arith.constant 16 : i32
    %div3A_69 = arith.divsi %mul3A_2, %jit3A_68 : i32
    %sign3A_70 = arith.constant 0 : i32
    %sign3A_71 = arith.cmpi sgt, %mul3A_2, %sign3A_70 : i32
    %sign3A_72 = arith.extui %sign3A_71 : i1 to i32
    %sign3A_73 = arith.constant 0 : i32
    %sign3A_74 = arith.cmpi slt, %mul3A_2, %sign3A_73 : i32
    %sign3A_75 = arith.extui %sign3A_74 : i1 to i32
    %sign3A_76 = arith.subi %sign3A_72, %sign3A_75 : i32
    %sign3A_77 = arith.constant 0 : i32
    %sign3A_78 = arith.cmpi sgt, %jit3A_68, %sign3A_77 : i32
    %sign3A_79 = arith.extui %sign3A_78 : i1 to i32
    %sign3A_80 = arith.constant 0 : i32
    %sign3A_81 = arith.cmpi slt, %jit3A_68, %sign3A_80 : i32
    %sign3A_82 = arith.extui %sign3A_81 : i1 to i32
    %sign3A_83 = arith.subi %sign3A_79, %sign3A_82 : i32
    %ne3A_84 = arith.cmpi ne, %sign3A_76, %sign3A_83 : i32
    %rem3A_85 = arith.remsi %mul3A_2, %jit3A_68 : i32
    %ne3A_86 = arith.constant 0 : i32
    %ne3A_87 = arith.cmpi ne, %rem3A_85, %ne3A_86 : i32
    %and3A_88 = arith.andi %ne3A_84, %ne3A_87 : i1
    %sub3A_89 = arith.constant 1 : i32
    %sub3A_90 = arith.subi %div3A_69, %sub3A_89 : i32
    %select_n3A_91 = arith.select %and3A_88, %sub3A_90, %div3A_69 : i32
    "tpu.region"() ({
      %run_scoped3A = tpu.sem_alloc : memref<!tpu.dma_semaphore, #tpu.memory_space<semaphore_mem>>
      %dma_start3A_154 = arith.constant 0 : i32
      %dma_start3A_155 = tpu.memref_slice %arg2[%select_n3A_91, %dma_start3A_154] : memref<26x16384xf32, #tpu.memory_space<hbm>> -> memref<1x16384xf32, #tpu.memory_space<hbm>>
      %dma_start3A_156 = tpu.memref_squeeze %dma_start3A_155 : memref<1x16384xf32, #tpu.memory_space<hbm>> -> memref<16384xf32, #tpu.memory_space<hbm>>
      %dma_start3A_157 = arith.constant 0 : i32
      %dma_start3A_158 = tpu.memref_slice %arg2[%select_n3A_91, %dma_start3A_157] : memref<26x16384xf32, #tpu.memory_space<hbm>> -> memref<1x16384xf32, #tpu.memory_space<hbm>>
      %dma_start3A_159 = tpu.memref_squeeze %dma_start3A_158 : memref<1x16384xf32, #tpu.memory_space<hbm>> -> memref<16384xf32, #tpu.memory_space<hbm>>
      tpu.enqueue_dma source(%dma_start3A_159 : memref<16384xf32, #tpu.memory_space<hbm>>) target(%arg7 : memref<16384xf32, #tpu.memory_space<vmem>>) target_semaphore(%run_scoped3A : memref<!tpu.dma_semaphore, #tpu.memory_space<semaphore_mem>>)
      %dma_wait3A_160 = arith.constant 0 : i32
      %dma_wait3A_161 = tpu.memref_slice %arg2[%select_n3A_91, %dma_wait3A_160] : memref<26x16384xf32, #tpu.memory_space<hbm>> -> memref<1x16384xf32, #tpu.memory_space<hbm>>
      %dma_wait3A_162 = tpu.memref_squeeze %dma_wait3A_161 : memref<1x16384xf32, #tpu.memory_space<hbm>> -> memref<16384xf32, #tpu.memory_space<hbm>>
      %dma_wait3A_163 = arith.constant 0 : i32
      %dma_wait3A_164 = tpu.memref_slice %arg2[%select_n3A_91, %dma_wait3A_163] : memref<26x16384xf32, #tpu.memory_space<hbm>> -> memref<1x16384xf32, #tpu.memory_space<hbm>>
      %dma_wait3A_165 = tpu.memref_squeeze %dma_wait3A_164 : memref<1x16384xf32, #tpu.memory_space<hbm>> -> memref<16384xf32, #tpu.memory_space<hbm>>
      tpu.wait_dma2 semaphore(%run_scoped3A : memref<!tpu.dma_semaphore, #tpu.memory_space<semaphore_mem>>) src(%dma_wait3A_165 : memref<16384xf32, #tpu.memory_space<hbm>>) dst(%arg7 : memref<16384xf32, #tpu.memory_space<vmem>>)
      tpu.yield
    }) : () -> ()
    %scan3A = arith.constant 0 : i32
    %scan3A_92 = arith.constant 0 : i32
    %scan3A_93 = arith.constant 12 : i32
    %scan3A_94 = arith.addi %scan3A_92, %scan3A_93 : i32
    %scan3A_95 = arith.constant 1 : i32
    scf.for %scan3A_154 = %scan3A_92 to %scan3A_94 step %scan3A_95  : i32 {
      %add3A_155 = arith.addi %mul3A_2, %scan3A_154 : i32
      %add3A_156 = arith.constant 1 : i32
      %add3A_157 = arith.addi %add3A_155, %add3A_156 : i32
      %dma_wait3A_158 = arith.constant 0 : i32
      %dma_wait3A_159 = arith.constant 0 : i32
      %dma_wait3A_160 = arith.constant 0 : i32
      %dma_wait3A_161 = tpu.memref_slice %arg6[%dma_wait3A_160] : memref<100000xf32, #tpu.memory_space<vmem>> -> memref<49920xf32, #tpu.memory_space<vmem>>
      %dma_wait3A_162 = arith.constant 0 : i32
      %dma_wait3A_163 = tpu.memref_slice %arg3[%dma_wait3A_158, %dma_wait3A_159, %dma_wait3A_162] : memref<26x16x100000xf32, #tpu.memory_space<hbm>> -> memref<1x1x100000xf32, #tpu.memory_space<hbm>>
      %dma_wait3A_164 = tpu.memref_squeeze %dma_wait3A_163 : memref<1x1x100000xf32, #tpu.memory_space<hbm>> -> memref<100000xf32, #tpu.memory_space<hbm>>
      %dma_wait3A_165 = arith.constant 0 : i32
      %dma_wait3A_166 = tpu.memref_slice %dma_wait3A_164[%dma_wait3A_165] : memref<100000xf32, #tpu.memory_space<hbm>> -> memref<49920xf32, #tpu.memory_space<hbm>>
      %dma_wait3A_167 = arith.constant 0 : i32
      %dma_wait3A_168 = tpu.memref_slice %arg6[%dma_wait3A_167] : memref<100000xf32, #tpu.memory_space<vmem>> -> memref<49920xf32, #tpu.memory_space<vmem>>
      %dma_wait3A_169 = arith.constant 0 : i32
      %dma_wait3A_170 = tpu.memref_slice %arg3[%dma_wait3A_158, %dma_wait3A_159, %dma_wait3A_169] : memref<26x16x100000xf32, #tpu.memory_space<hbm>> -> memref<1x1x100000xf32, #tpu.memory_space<hbm>>
      %dma_wait3A_171 = tpu.memref_squeeze %dma_wait3A_170 : memref<1x1x100000xf32, #tpu.memory_space<hbm>> -> memref<100000xf32, #tpu.memory_space<hbm>>
      %dma_wait3A_172 = arith.constant 0 : i32
      %dma_wait3A_173 = tpu.memref_slice %dma_wait3A_171[%dma_wait3A_172] : memref<100000xf32, #tpu.memory_space<hbm>> -> memref<49920xf32, #tpu.memory_space<hbm>>
      tpu.wait_dma2 semaphore(%arg8 : memref<!tpu.dma_semaphore, #tpu.memory_space<semaphore_mem>>) src(%dma_wait3A_173 : memref<49920xf32, #tpu.memory_space<hbm>>) dst(%dma_wait3A_168 : memref<49920xf32, #tpu.memory_space<vmem>>)
      %dma_wait3A_174 = arith.constant 0 : i32
      %dma_wait3A_175 = arith.constant 0 : i32
      %dma_wait3A_176 = arith.constant 49920 : i32
      %dma_wait3A_177 = tpu.memref_slice %arg6[%dma_wait3A_176] : memref<100000xf32, #tpu.memory_space<vmem>> -> memref<50048xf32, #tpu.memory_space<vmem>>
      %dma_wait3A_178 = arith.constant 0 : i32
      %dma_wait3A_179 = tpu.memref_slice %arg3[%dma_wait3A_174, %dma_wait3A_175, %dma_wait3A_178] : memref<26x16x100000xf32, #tpu.memory_space<hbm>> -> memref<1x1x100000xf32, #tpu.memory_space<hbm>>
      %dma_wait3A_180 = tpu.memref_squeeze %dma_wait3A_179 : memref<1x1x100000xf32, #tpu.memory_space<hbm>> -> memref<100000xf32, #tpu.memory_space<hbm>>
      %dma_wait3A_181 = arith.constant 49920 : i32
      %dma_wait3A_182 = tpu.memref_slice %dma_wait3A_180[%dma_wait3A_181] : memref<100000xf32, #tpu.memory_space<hbm>> -> memref<50048xf32, #tpu.memory_space<hbm>>
      %dma_wait3A_183 = arith.constant 49920 : i32
      %dma_wait3A_184 = tpu.memref_slice %arg6[%dma_wait3A_183] : memref<100000xf32, #tpu.memory_space<vmem>> -> memref<50048xf32, #tpu.memory_space<vmem>>
      %dma_wait3A_185 = arith.constant 0 : i32
      %dma_wait3A_186 = tpu.memref_slice %arg3[%dma_wait3A_174, %dma_wait3A_175, %dma_wait3A_185] : memref<26x16x100000xf32, #tpu.memory_space<hbm>> -> memref<1x1x100000xf32, #tpu.memory_space<hbm>>
      %dma_wait3A_187 = tpu.memref_squeeze %dma_wait3A_186 : memref<1x1x100000xf32, #tpu.memory_space<hbm>> -> memref<100000xf32, #tpu.memory_space<hbm>>
      %dma_wait3A_188 = arith.constant 49920 : i32
      %dma_wait3A_189 = tpu.memref_slice %dma_wait3A_187[%dma_wait3A_188] : memref<100000xf32, #tpu.memory_space<hbm>> -> memref<50048xf32, #tpu.memory_space<hbm>>
      tpu.wait_dma2 semaphore(%arg9 : memref<!tpu.dma_semaphore, #tpu.memory_space<semaphore_mem>>) src(%dma_wait3A_189 : memref<50048xf32, #tpu.memory_space<hbm>>) dst(%dma_wait3A_184 : memref<50048xf32, #tpu.memory_space<vmem>>)
      %dma_wait3A_190 = arith.constant 99968 : i32
      %dma_wait3A_191 = tpu.memref_slice %arg6[%dma_wait3A_190] : memref<100000xf32, #tpu.memory_space<vmem>> -> memref<32xf32, #tpu.memory_space<vmem>>
      %dma_wait3A_192 = arith.constant 0 : i32
      %dma_wait3A_193 = tpu.memref_slice %arg4[%dma_wait3A_192] : memref<13312xf32, #tpu.memory_space<hbm>> -> memref<32xf32, #tpu.memory_space<hbm>>
      %dma_wait3A_194 = arith.constant 99968 : i32
      %dma_wait3A_195 = tpu.memref_slice %arg6[%dma_wait3A_194] : memref<100000xf32, #tpu.memory_space<vmem>> -> memref<32xf32, #tpu.memory_space<vmem>>
      %dma_wait3A_196 = arith.constant 0 : i32
      %dma_wait3A_197 = tpu.memref_slice %arg4[%dma_wait3A_196] : memref<13312xf32, #tpu.memory_space<hbm>> -> memref<32xf32, #tpu.memory_space<hbm>>
      tpu.wait_dma2 semaphore(%arg10 : memref<!tpu.dma_semaphore, #tpu.memory_space<semaphore_mem>>) src(%dma_wait3A_197 : memref<32xf32, #tpu.memory_space<hbm>>) dst(%dma_wait3A_195 : memref<32xf32, #tpu.memory_space<vmem>>)
      %parallel_loop3A_198 = arith.constant 0 : i32
      %parallel_loop3A_199 = arith.constant 16384 : i32
      %parallel_loop3A_200 = arith.constant 16 : i32
      scf.for %parallel_loop3A_313 = %parallel_loop3A_198 to %parallel_loop3A_199 step %parallel_loop3A_200  : i32 {
        %parallel_loop3A_314 = arith.index_cast %parallel_loop3A_313 : i32 to index
        %parallel_loop3A_315 = tpu.vector_load %arg7[%parallel_loop3A_314] {strides = array<i32>} : memref<16384xf32, #tpu.memory_space<vmem>>, vector<16xf32>,
        %parallel_loop3A_316 = vector.bitcast %parallel_loop3A_315 : vector<16xf32> to vector<16xi32>
        %parallel_loop3A_317 = tpu.vector_load_idx %arg6[%parallel_loop3A_316] : memref<100000xf32, #tpu.memory_space<vmem>>[vector<16xi32>], vector<16xf32>,
        %parallel_loop3A_318 = arith.index_cast %parallel_loop3A_313 : i32 to index
        %parallel_loop3A_319 = tpu.vector_load %arg7[%parallel_loop3A_318] {strides = array<i32>} : memref<16384xf32, #tpu.memory_space<vmem>>, vector<16xf32>,
        tpu.vector_store %arg7[%parallel_loop3A_318], %parallel_loop3A_317 {strides = array<i32>} : memref<16384xf32, #tpu.memory_space<vmem>>, vector<16xf32>,
      } {sc.loop_unroll_factor = 8 : i64, sc.parallel_access}
      %jit3A_201 = arith.constant 16 : i32
      %div3A_202 = arith.divsi %add3A_157, %jit3A_201 : i32
      %sign3A_203 = arith.constant 0 : i32
      %sign3A_204 = arith.cmpi sgt, %add3A_157, %sign3A_203 : i32
      %sign3A_205 = arith.extui %sign3A_204 : i1 to i32
      %sign3A_206 = arith.constant 0 : i32
      %sign3A_207 = arith.cmpi slt, %add3A_157, %sign3A_206 : i32
      %sign3A_208 = arith.extui %sign3A_207 : i1 to i32
      %sign3A_209 = arith.subi %sign3A_205, %sign3A_208 : i32
      %sign3A_210 = arith.constant 0 : i32
      %sign3A_211 = arith.cmpi sgt, %jit3A_201, %sign3A_210 : i32
      %sign3A_212 = arith.extui %sign3A_211 : i1 to i32
      %sign3A_213 = arith.constant 0 : i32
      %sign3A_214 = arith.cmpi slt, %jit3A_201, %sign3A_213 : i32
      %sign3A_215 = arith.extui %sign3A_214 : i1 to i32
      %sign3A_216 = arith.subi %sign3A_212, %sign3A_215 : i32
      %ne3A_217 = arith.cmpi ne, %sign3A_209, %sign3A_216 : i32
      %rem3A_218 = arith.remsi %add3A_157, %jit3A_201 : i32
      %ne3A_219 = arith.constant 0 : i32
      %ne3A_220 = arith.cmpi ne, %rem3A_218, %ne3A_219 : i32
      %and3A_221 = arith.andi %ne3A_217, %ne3A_220 : i1
      %sub3A_222 = arith.constant 1 : i32
      %sub3A_223 = arith.subi %div3A_202, %sub3A_222 : i32
      %select_n3A_224 = arith.select %and3A_221, %sub3A_223, %div3A_202 : i32
      %jit3A_225 = arith.constant 16 : i32
      %eq3A_226 = arith.constant 0 : i32
      %eq3A_227 = arith.cmpi eq, %jit3A_225, %eq3A_226 : i32
      %jit3A_228 = arith.constant 1 : i32
      %select_n3A_229 = arith.select %eq3A_227, %jit3A_228, %jit3A_225 : i32
      %rem3A_230 = arith.remsi %add3A_157, %select_n3A_229 : i32
      %ne3A_231 = arith.constant 0 : i32
      %ne3A_232 = arith.cmpi ne, %rem3A_230, %ne3A_231 : i32
      %lt3A_233 = arith.constant 0 : i32
      %lt3A_234 = arith.cmpi slt, %rem3A_230, %lt3A_233 : i32
      %lt3A_235 = arith.constant 0 : i32
      %lt3A_236 = arith.cmpi slt, %select_n3A_229, %lt3A_235 : i32
      %ne3A_237 = arith.xori %lt3A_234, %lt3A_236 : i1
      %and3A_238 = arith.andi %ne3A_237, %ne3A_232 : i1
      %add3A_239 = arith.addi %rem3A_230, %select_n3A_229 : i32
      %select_n3A_240 = arith.select %and3A_238, %add3A_239, %rem3A_230 : i32
      %dma_start3A_241 = arith.constant 0 : i32
      %dma_start3A_242 = tpu.memref_slice %arg6[%dma_start3A_241] : memref<100000xf32, #tpu.memory_space<vmem>> -> memref<49920xf32, #tpu.memory_space<vmem>>
      %dma_start3A_243 = arith.constant 0 : i32
      %dma_start3A_244 = tpu.memref_slice %arg3[%select_n3A_224, %select_n3A_240, %dma_start3A_243] : memref<26x16x100000xf32, #tpu.memory_space<hbm>> -> memref<1x1x100000xf32, #tpu.memory_space<hbm>>
      %dma_start3A_245 = tpu.memref_squeeze %dma_start3A_244 : memref<1x1x100000xf32, #tpu.memory_space<hbm>> -> memref<100000xf32, #tpu.memory_space<hbm>>
      %dma_start3A_246 = arith.constant 0 : i32
      %dma_start3A_247 = tpu.memref_slice %dma_start3A_245[%dma_start3A_246] : memref<100000xf32, #tpu.memory_space<hbm>> -> memref<49920xf32, #tpu.memory_space<hbm>>
      %dma_start3A_248 = arith.constant 0 : i32
      %dma_start3A_249 = tpu.memref_slice %arg6[%dma_start3A_248] : memref<100000xf32, #tpu.memory_space<vmem>> -> memref<49920xf32, #tpu.memory_space<vmem>>
      %dma_start3A_250 = arith.constant 0 : i32
      %dma_start3A_251 = tpu.memref_slice %arg3[%select_n3A_224, %select_n3A_240, %dma_start3A_250] : memref<26x16x100000xf32, #tpu.memory_space<hbm>> -> memref<1x1x100000xf32, #tpu.memory_space<hbm>>
      %dma_start3A_252 = tpu.memref_squeeze %dma_start3A_251 : memref<1x1x100000xf32, #tpu.memory_space<hbm>> -> memref<100000xf32, #tpu.memory_space<hbm>>
      %dma_start3A_253 = arith.constant 0 : i32
      %dma_start3A_254 = tpu.memref_slice %dma_start3A_252[%dma_start3A_253] : memref<100000xf32, #tpu.memory_space<hbm>> -> memref<49920xf32, #tpu.memory_space<hbm>>
      tpu.enqueue_dma source(%dma_start3A_254 : memref<49920xf32, #tpu.memory_space<hbm>>) target(%dma_start3A_249 : memref<49920xf32, #tpu.memory_space<vmem>>) target_semaphore(%arg8 : memref<!tpu.dma_semaphore, #tpu.memory_space<semaphore_mem>>)
      %dma_start3A_255 = arith.constant 49920 : i32
      %dma_start3A_256 = tpu.memref_slice %arg6[%dma_start3A_255] : memref<100000xf32, #tpu.memory_space<vmem>> -> memref<50048xf32, #tpu.memory_space<vmem>>
      %dma_start3A_257 = arith.constant 0 : i32
      %dma_start3A_258 = tpu.memref_slice %arg3[%select_n3A_224, %select_n3A_240, %dma_start3A_257] : memref<26x16x100000xf32, #tpu.memory_space<hbm>> -> memref<1x1x100000xf32, #tpu.memory_space<hbm>>
      %dma_start3A_259 = tpu.memref_squeeze %dma_start3A_258 : memref<1x1x100000xf32, #tpu.memory_space<hbm>> -> memref<100000xf32, #tpu.memory_space<hbm>>
      %dma_start3A_260 = arith.constant 49920 : i32
      %dma_start3A_261 = tpu.memref_slice %dma_start3A_259[%dma_start3A_260] : memref<100000xf32, #tpu.memory_space<hbm>> -> memref<50048xf32, #tpu.memory_space<hbm>>
      %dma_start3A_262 = arith.constant 49920 : i32
      %dma_start3A_263 = tpu.memref_slice %arg6[%dma_start3A_262] : memref<100000xf32, #tpu.memory_space<vmem>> -> memref<50048xf32, #tpu.memory_space<vmem>>
      %dma_start3A_264 = arith.constant 0 : i32
      %dma_start3A_265 = tpu.memref_slice %arg3[%select_n3A_224, %select_n3A_240, %dma_start3A_264] : memref<26x16x100000xf32, #tpu.memory_space<hbm>> -> memref<1x1x100000xf32, #tpu.memory_space<hbm>>
      %dma_start3A_266 = tpu.memref_squeeze %dma_start3A_265 : memref<1x1x100000xf32, #tpu.memory_space<hbm>> -> memref<100000xf32, #tpu.memory_space<hbm>>
      %dma_start3A_267 = arith.constant 49920 : i32
      %dma_start3A_268 = tpu.memref_slice %dma_start3A_266[%dma_start3A_267] : memref<100000xf32, #tpu.memory_space<hbm>> -> memref<50048xf32, #tpu.memory_space<hbm>>
      tpu.enqueue_dma source(%dma_start3A_268 : memref<50048xf32, #tpu.memory_space<hbm>>) target(%dma_start3A_263 : memref<50048xf32, #tpu.memory_space<vmem>>) target_semaphore(%arg9 : memref<!tpu.dma_semaphore, #tpu.memory_space<semaphore_mem>>)
      %mul3A_269 = arith.constant 32 : i32
      %mul3A_270 = arith.muli %add3A_157, %mul3A_269 : i32
      %dma_start3A_271 = arith.constant 99968 : i32
      %dma_start3A_272 = tpu.memref_slice %arg6[%dma_start3A_271] : memref<100000xf32, #tpu.memory_space<vmem>> -> memref<32xf32, #tpu.memory_space<vmem>>
      %dma_start3A_273 = tpu.memref_slice %arg4[%mul3A_270] : memref<13312xf32, #tpu.memory_space<hbm>> -> memref<32xf32, #tpu.memory_space<hbm>>
      %dma_start3A_274 = arith.constant 99968 : i32
      %dma_start3A_275 = tpu.memref_slice %arg6[%dma_start3A_274] : memref<100000xf32, #tpu.memory_space<vmem>> -> memref<32xf32, #tpu.memory_space<vmem>>
      %dma_start3A_276 = tpu.memref_slice %arg4[%mul3A_270] : memref<13312xf32, #tpu.memory_space<hbm>> -> memref<32xf32, #tpu.memory_space<hbm>>
      tpu.enqueue_dma source(%dma_start3A_276 : memref<32xf32, #tpu.memory_space<hbm>>) target(%dma_start3A_275 : memref<32xf32, #tpu.memory_space<vmem>>) target_semaphore(%arg10 : memref<!tpu.dma_semaphore, #tpu.memory_space<semaphore_mem>>)
      %dma_start3A_277 = arith.constant 0 : i32
      %dma_start3A_278 = tpu.memref_slice %arg5[%add3A_155, %dma_start3A_277] : memref<416x16384xf32, #tpu.memory_space<hbm>> -> memref<1x16384xf32, #tpu.memory_space<hbm>>
      %dma_start3A_279 = tpu.memref_squeeze %dma_start3A_278 : memref<1x16384xf32, #tpu.memory_space<hbm>> -> memref<16384xf32, #tpu.memory_space<hbm>>
      %dma_start3A_280 = arith.constant 0 : i32
      %dma_start3A_281 = tpu.memref_slice %arg5[%add3A_155, %dma_start3A_280] : memref<416x16384xf32, #tpu.memory_space<hbm>> -> memref<1x16384xf32, #tpu.memory_space<hbm>>
      %dma_start3A_282 = tpu.memref_squeeze %dma_start3A_281 : memref<1x16384xf32, #tpu.memory_space<hbm>> -> memref<16384xf32, #tpu.memory_space<hbm>>
      tpu.enqueue_dma source(%arg7 : memref<16384xf32, #tpu.memory_space<vmem>>) target(%dma_start3A_282 : memref<16384xf32, #tpu.memory_space<hbm>>) target_semaphore(%arg11 : memref<!tpu.dma_semaphore, #tpu.memory_space<semaphore_mem>>)
      %dma_wait3A_283 = arith.constant 0 : i32
      %dma_wait3A_284 = tpu.memref_slice %arg5[%add3A_155, %dma_wait3A_283] : memref<416x16384xf32, #tpu.memory_space<hbm>> -> memref<1x16384xf32, #tpu.memory_space<hbm>>
      %dma_wait3A_285 = tpu.memref_squeeze %dma_wait3A_284 : memref<1x16384xf32, #tpu.memory_space<hbm>> -> memref<16384xf32, #tpu.memory_space<hbm>>
      %dma_wait3A_286 = arith.constant 0 : i32
      %dma_wait3A_287 = tpu.memref_slice %arg5[%add3A_155, %dma_wait3A_286] : memref<416x16384xf32, #tpu.memory_space<hbm>> -> memref<1x16384xf32, #tpu.memory_space<hbm>>
      %dma_wait3A_288 = tpu.memref_squeeze %dma_wait3A_287 : memref<1x16384xf32, #tpu.memory_space<hbm>> -> memref<16384xf32, #tpu.memory_space<hbm>>
      tpu.wait_dma2 semaphore(%arg11 : memref<!tpu.dma_semaphore, #tpu.memory_space<semaphore_mem>>) src(%arg7 : memref<16384xf32, #tpu.memory_space<vmem>>) dst(%dma_wait3A_288 : memref<16384xf32, #tpu.memory_space<hbm>>)
      %jit3A_289 = arith.constant 16 : i32
      %div3A_290 = arith.divsi %add3A_157, %jit3A_289 : i32
      %sign3A_291 = arith.constant 0 : i32
      %sign3A_292 = arith.cmpi sgt, %add3A_157, %sign3A_291 : i32
      %sign3A_293 = arith.extui %sign3A_292 : i1 to i32
      %sign3A_294 = arith.constant 0 : i32
      %sign3A_295 = arith.cmpi slt, %add3A_157, %sign3A_294 : i32
      %sign3A_296 = arith.extui %sign3A_295 : i1 to i32
      %sign3A_297 = arith.subi %sign3A_293, %sign3A_296 : i32
      %sign3A_298 = arith.constant 0 : i32
      %sign3A_299 = arith.cmpi sgt, %jit3A_289, %sign3A_298 : i32
      %sign3A_300 = arith.extui %sign3A_299 : i1 to i32
      %sign3A_301 = arith.constant 0 : i32
      %sign3A_302 = arith.cmpi slt, %jit3A_289, %sign3A_301 : i32
      %sign3A_303 = arith.extui %sign3A_302 : i1 to i32
      %sign3A_304 = arith.subi %sign3A_300, %sign3A_303 : i32
      %ne3A_305 = arith.cmpi ne, %sign3A_297, %sign3A_304 : i32
      %rem3A_306 = arith.remsi %add3A_157, %jit3A_289 : i32
      %ne3A_307 = arith.constant 0 : i32
      %ne3A_308 = arith.cmpi ne, %rem3A_306, %ne3A_307 : i32
      %and3A_309 = arith.andi %ne3A_305, %ne3A_308 : i1
      %sub3A_310 = arith.constant 1 : i32
      %sub3A_311 = arith.subi %div3A_290, %sub3A_310 : i32
      %select_n3A_312 = arith.select %and3A_309, %sub3A_311, %div3A_290 : i32
      "tpu.region"() ({
        %run_scoped3A = tpu.sem_alloc : memref<!tpu.dma_semaphore, #tpu.memory_space<semaphore_mem>>
        %dma_start3A_313 = arith.constant 0 : i32
        %dma_start3A_314 = tpu.memref_slice %arg2[%select_n3A_312, %dma_start3A_313] : memref<26x16384xf32, #tpu.memory_space<hbm>> -> memref<1x16384xf32, #tpu.memory_space<hbm>>
        %dma_start3A_315 = tpu.memref_squeeze %dma_start3A_314 : memref<1x16384xf32, #tpu.memory_space<hbm>> -> memref<16384xf32, #tpu.memory_space<hbm>>
        %dma_start3A_316 = arith.constant 0 : i32
        %dma_start3A_317 = tpu.memref_slice %arg2[%select_n3A_312, %dma_start3A_316] : memref<26x16384xf32, #tpu.memory_space<hbm>> -> memref<1x16384xf32, #tpu.memory_space<hbm>>
        %dma_start3A_318 = tpu.memref_squeeze %dma_start3A_317 : memref<1x16384xf32, #tpu.memory_space<hbm>> -> memref<16384xf32, #tpu.memory_space<hbm>>
        tpu.enqueue_dma source(%dma_start3A_318 : memref<16384xf32, #tpu.memory_space<hbm>>) target(%arg7 : memref<16384xf32, #tpu.memory_space<vmem>>) target_semaphore(%run_scoped3A : memref<!tpu.dma_semaphore, #tpu.memory_space<semaphore_mem>>)
        %dma_wait3A_319 = arith.constant 0 : i32
        %dma_wait3A_320 = tpu.memref_slice %arg2[%select_n3A_312, %dma_wait3A_319] : memref<26x16384xf32, #tpu.memory_space<hbm>> -> memref<1x16384xf32, #tpu.memory_space<hbm>>
        %dma_wait3A_321 = tpu.memref_squeeze %dma_wait3A_320 : memref<1x16384xf32, #tpu.memory_space<hbm>> -> memref<16384xf32, #tpu.memory_space<hbm>>
        %dma_wait3A_322 = arith.constant 0 : i32
        %dma_wait3A_323 = tpu.memref_slice %arg2[%select_n3A_312, %dma_wait3A_322] : memref<26x16384xf32, #tpu.memory_space<hbm>> -> memref<1x16384xf32, #tpu.memory_space<hbm>>
        %dma_wait3A_324 = tpu.memref_squeeze %dma_wait3A_323 : memref<1x16384xf32, #tpu.memory_space<hbm>> -> memref<16384xf32, #tpu.memory_space<hbm>>
        tpu.wait_dma2 semaphore(%run_scoped3A : memref<!tpu.dma_semaphore, #tpu.memory_space<semaphore_mem>>) src(%dma_wait3A_324 : memref<16384xf32, #tpu.memory_space<hbm>>) dst(%arg7 : memref<16384xf32, #tpu.memory_space<vmem>>)
        tpu.yield
      }) : () -> ()
    }
    %scan3A_96 = arith.constant 12 : i32
    %add3A_97 = arith.constant 13 : i32
    %add3A_98 = arith.addi %mul3A_2, %add3A_97 : i32
    %sub3A_99 = arith.constant 1 : i32
    %sub3A_100 = arith.subi %add3A_98, %sub3A_99 : i32
    %dma_wait3A = arith.constant 0 : i32
    %dma_wait3A_101 = arith.constant 0 : i32
    %dma_wait3A_102 = arith.constant 0 : i32
    %dma_wait3A_103 = tpu.memref_slice %arg6[%dma_wait3A_102] : memref<100000xf32, #tpu.memory_space<vmem>> -> memref<49920xf32, #tpu.memory_space<vmem>>
    %dma_wait3A_104 = arith.constant 0 : i32
    %dma_wait3A_105 = tpu.memref_slice %arg3[%dma_wait3A, %dma_wait3A_101, %dma_wait3A_104] : memref<26x16x100000xf32, #tpu.memory_space<hbm>> -> memref<1x1x100000xf32, #tpu.memory_space<hbm>>
    %dma_wait3A_106 = tpu.memref_squeeze %dma_wait3A_105 : memref<1x1x100000xf32, #tpu.memory_space<hbm>> -> memref<100000xf32, #tpu.memory_space<hbm>>
    %dma_wait3A_107 = arith.constant 0 : i32
    %dma_wait3A_108 = tpu.memref_slice %dma_wait3A_106[%dma_wait3A_107] : memref<100000xf32, #tpu.memory_space<hbm>> -> memref<49920xf32, #tpu.memory_space<hbm>>
    %dma_wait3A_109 = arith.constant 0 : i32
    %dma_wait3A_110 = tpu.memref_slice %arg6[%dma_wait3A_109] : memref<100000xf32, #tpu.memory_space<vmem>> -> memref<49920xf32, #tpu.memory_space<vmem>>
    %dma_wait3A_111 = arith.constant 0 : i32
    %dma_wait3A_112 = tpu.memref_slice %arg3[%dma_wait3A, %dma_wait3A_101, %dma_wait3A_111] : memref<26x16x100000xf32, #tpu.memory_space<hbm>> -> memref<1x1x100000xf32, #tpu.memory_space<hbm>>
    %dma_wait3A_113 = tpu.memref_squeeze %dma_wait3A_112 : memref<1x1x100000xf32, #tpu.memory_space<hbm>> -> memref<100000xf32, #tpu.memory_space<hbm>>
    %dma_wait3A_114 = arith.constant 0 : i32
    %dma_wait3A_115 = tpu.memref_slice %dma_wait3A_113[%dma_wait3A_114] : memref<100000xf32, #tpu.memory_space<hbm>> -> memref<49920xf32, #tpu.memory_space<hbm>>
    tpu.wait_dma2 semaphore(%arg8 : memref<!tpu.dma_semaphore, #tpu.memory_space<semaphore_mem>>) src(%dma_wait3A_115 : memref<49920xf32, #tpu.memory_space<hbm>>) dst(%dma_wait3A_110 : memref<49920xf32, #tpu.memory_space<vmem>>)
    %dma_wait3A_116 = arith.constant 0 : i32
    %dma_wait3A_117 = arith.constant 0 : i32
    %dma_wait3A_118 = arith.constant 49920 : i32
    %dma_wait3A_119 = tpu.memref_slice %arg6[%dma_wait3A_118] : memref<100000xf32, #tpu.memory_space<vmem>> -> memref<50048xf32, #tpu.memory_space<vmem>>
    %dma_wait3A_120 = arith.constant 0 : i32
    %dma_wait3A_121 = tpu.memref_slice %arg3[%dma_wait3A_116, %dma_wait3A_117, %dma_wait3A_120] : memref<26x16x100000xf32, #tpu.memory_space<hbm>> -> memref<1x1x100000xf32, #tpu.memory_space<hbm>>
    %dma_wait3A_122 = tpu.memref_squeeze %dma_wait3A_121 : memref<1x1x100000xf32, #tpu.memory_space<hbm>> -> memref<100000xf32, #tpu.memory_space<hbm>>
    %dma_wait3A_123 = arith.constant 49920 : i32
    %dma_wait3A_124 = tpu.memref_slice %dma_wait3A_122[%dma_wait3A_123] : memref<100000xf32, #tpu.memory_space<hbm>> -> memref<50048xf32, #tpu.memory_space<hbm>>
    %dma_wait3A_125 = arith.constant 49920 : i32
    %dma_wait3A_126 = tpu.memref_slice %arg6[%dma_wait3A_125] : memref<100000xf32, #tpu.memory_space<vmem>> -> memref<50048xf32, #tpu.memory_space<vmem>>
    %dma_wait3A_127 = arith.constant 0 : i32
    %dma_wait3A_128 = tpu.memref_slice %arg3[%dma_wait3A_116, %dma_wait3A_117, %dma_wait3A_127] : memref<26x16x100000xf32, #tpu.memory_space<hbm>> -> memref<1x1x100000xf32, #tpu.memory_space<hbm>>
    %dma_wait3A_129 = tpu.memref_squeeze %dma_wait3A_128 : memref<1x1x100000xf32, #tpu.memory_space<hbm>> -> memref<100000xf32, #tpu.memory_space<hbm>>
    %dma_wait3A_130 = arith.constant 49920 : i32
    %dma_wait3A_131 = tpu.memref_slice %dma_wait3A_129[%dma_wait3A_130] : memref<100000xf32, #tpu.memory_space<hbm>> -> memref<50048xf32, #tpu.memory_space<hbm>>
    tpu.wait_dma2 semaphore(%arg9 : memref<!tpu.dma_semaphore, #tpu.memory_space<semaphore_mem>>) src(%dma_wait3A_131 : memref<50048xf32, #tpu.memory_space<hbm>>) dst(%dma_wait3A_126 : memref<50048xf32, #tpu.memory_space<vmem>>)
    %dma_wait3A_132 = arith.constant 99968 : i32
    %dma_wait3A_133 = tpu.memref_slice %arg6[%dma_wait3A_132] : memref<100000xf32, #tpu.memory_space<vmem>> -> memref<32xf32, #tpu.memory_space<vmem>>
    %dma_wait3A_134 = arith.constant 0 : i32
    %dma_wait3A_135 = tpu.memref_slice %arg4[%dma_wait3A_134] : memref<13312xf32, #tpu.memory_space<hbm>> -> memref<32xf32, #tpu.memory_space<hbm>>
    %dma_wait3A_136 = arith.constant 99968 : i32
    %dma_wait3A_137 = tpu.memref_slice %arg6[%dma_wait3A_136] : memref<100000xf32, #tpu.memory_space<vmem>> -> memref<32xf32, #tpu.memory_space<vmem>>
    %dma_wait3A_138 = arith.constant 0 : i32
    %dma_wait3A_139 = tpu.memref_slice %arg4[%dma_wait3A_138] : memref<13312xf32, #tpu.memory_space<hbm>> -> memref<32xf32, #tpu.memory_space<hbm>>
    tpu.wait_dma2 semaphore(%arg10 : memref<!tpu.dma_semaphore, #tpu.memory_space<semaphore_mem>>) src(%dma_wait3A_139 : memref<32xf32, #tpu.memory_space<hbm>>) dst(%dma_wait3A_137 : memref<32xf32, #tpu.memory_space<vmem>>)
    %parallel_loop3A = arith.constant 0 : i32
    %parallel_loop3A_140 = arith.constant 16384 : i32
    %parallel_loop3A_141 = arith.constant 16 : i32
    scf.for %parallel_loop3A_154 = %parallel_loop3A to %parallel_loop3A_140 step %parallel_loop3A_141  : i32 {
      %parallel_loop3A_155 = arith.index_cast %parallel_loop3A_154 : i32 to index
      %parallel_loop3A_156 = tpu.vector_load %arg7[%parallel_loop3A_155] {strides = array<i32>} : memref<16384xf32, #tpu.memory_space<vmem>>, vector<16xf32>,
      %parallel_loop3A_157 = vector.bitcast %parallel_loop3A_156 : vector<16xf32> to vector<16xi32>
      %parallel_loop3A_158 = tpu.vector_load_idx %arg6[%parallel_loop3A_157] : memref<100000xf32, #tpu.memory_space<vmem>>[vector<16xi32>], vector<16xf32>,
      %parallel_loop3A_159 = arith.index_cast %parallel_loop3A_154 : i32 to index
      %parallel_loop3A_160 = tpu.vector_load %arg7[%parallel_loop3A_159] {strides = array<i32>} : memref<16384xf32, #tpu.memory_space<vmem>>, vector<16xf32>,
      tpu.vector_store %arg7[%parallel_loop3A_159], %parallel_loop3A_158 {strides = array<i32>} : memref<16384xf32, #tpu.memory_space<vmem>>, vector<16xf32>,
    } {sc.loop_unroll_factor = 8 : i64, sc.parallel_access}
    %dma_start3A_142 = arith.constant 0 : i32
    %dma_start3A_143 = tpu.memref_slice %arg5[%sub3A_100, %dma_start3A_142] : memref<416x16384xf32, #tpu.memory_space<hbm>> -> memref<1x16384xf32, #tpu.memory_space<hbm>>
    %dma_start3A_144 = tpu.memref_squeeze %dma_start3A_143 : memref<1x16384xf32, #tpu.memory_space<hbm>> -> memref<16384xf32, #tpu.memory_space<hbm>>
    %dma_start3A_145 = arith.constant 0 : i32
    %dma_start3A_146 = tpu.memref_slice %arg5[%sub3A_100, %dma_start3A_145] : memref<416x16384xf32, #tpu.memory_space<hbm>> -> memref<1x16384xf32, #tpu.memory_space<hbm>>
    %dma_start3A_147 = tpu.memref_squeeze %dma_start3A_146 : memref<1x16384xf32, #tpu.memory_space<hbm>> -> memref<16384xf32, #tpu.memory_space<hbm>>
    tpu.enqueue_dma source(%arg7 : memref<16384xf32, #tpu.memory_space<vmem>>) target(%dma_start3A_147 : memref<16384xf32, #tpu.memory_space<hbm>>) target_semaphore(%arg11 : memref<!tpu.dma_semaphore, #tpu.memory_space<semaphore_mem>>)
    %dma_wait3A_148 = arith.constant 0 : i32
    %dma_wait3A_149 = tpu.memref_slice %arg5[%sub3A_100, %dma_wait3A_148] : memref<416x16384xf32, #tpu.memory_space<hbm>> -> memref<1x16384xf32, #tpu.memory_space<hbm>>
    %dma_wait3A_150 = tpu.memref_squeeze %dma_wait3A_149 : memref<1x16384xf32, #tpu.memory_space<hbm>> -> memref<16384xf32, #tpu.memory_space<hbm>>
    %dma_wait3A_151 = arith.constant 0 : i32
    %dma_wait3A_152 = tpu.memref_slice %arg5[%sub3A_100, %dma_wait3A_151] : memref<416x16384xf32, #tpu.memory_space<hbm>> -> memref<1x16384xf32, #tpu.memory_space<hbm>>
    %dma_wait3A_153 = tpu.memref_squeeze %dma_wait3A_152 : memref<1x16384xf32, #tpu.memory_space<hbm>> -> memref<16384xf32, #tpu.memory_space<hbm>>
    tpu.wait_dma2 semaphore(%arg11 : memref<!tpu.dma_semaphore, #tpu.memory_space<semaphore_mem>>) src(%arg7 : memref<16384xf32, #tpu.memory_space<vmem>>) dst(%dma_wait3A_153 : memref<16384xf32, #tpu.memory_space<hbm>>)
    return
  }
}

</mosaic_0001>

<sc_bundles>
// kernel: kernel.3.cloned.1.call-start
scs
__scs_entry_jumppad:
0x0: {  	(pc) =	sbr.rel $0x88, $3  }
0x1: {  	(tag) =	ssettag $0x0;
	lr =	simm.s32 $0x1  }
0x2: {  	[smem:$0x3F9F] =	sst lr;
	_ =	strace $0xD0000000  }
0x3: {  	_ = 	snop  }
0x4: {  	_ = 	snop  }
0x5: {  	_ = 	snop  }
0x6: {  	_ = 	snop  }
0x7: {  	_ = 	snop  }
__scs_overlays_trampoline_lowered:
0x8: {  	[smem:$0x3FAE] =	sst s0  }
0x9: {  	[smem:$0x3FAF] =	sst s1  }
0xa: {  	[smem:$0x3FB0] =	sst s2  }
0xb: {  	[smem:$0x3FB1] =	sst s3  }
0xc: {  	[smem:$0x3FB2] =	sst s4  }
0xd: {  	[smem:$0x3FB3] =	sst s5  }
0xe: {  	[smem:$0x3FB4] =	sst s6  }
0xf: {  	[smem:$0x3FB5] =	sst s7  }
0x10: {  	[smem:$0x3FB6] =	sst s8  }
0x11: {  	[smem:$0x3FB7] =	sst s9;
	s0 =	simm.s32 @!p0 $0x0  }
0x12: {  	s1 =	sld [smem:$0x3F9D];
	s0 =	simm.s32 @p0 $0x1  }
0x13: {  	[smem:$0x3FB8] =	sst s0;
	s0 =	simm.s32 @!p1 $0x0  }
0x14: {  	s2 =	sld [smem:$0x3F9C];
	s0 =	simm.s32 @p1 $0x1  }
0x15: {  	[smem:$0x3FB9] =	sst s0;
	s0 =	simm.s32 @!p2 $0x0  }
0x16: {  	s3 =	sld [smem:$0x3FDB];
	s0 =	simm.s32 @p2 $0x1  }
0x17: {  	s4 =	simm.s32 $0x1BF5;
	[smem:$0x3FBB] =	sst s0  }
0x18: {  	s0 =	sld [smem:$0x3F9E];
	_ =	swait.ge [sflag:s4], $0x0  }
0x19: {  	s7 =	sld [smem:$0x3F9F]  }
0x1a: {  	s8 =	sadd.s32 $0xFFFFE003, lr  }
0x1b: {  	s9 =	sadd.s32 $0xFFFFFEF7, lr;
	s5 =	simm.s32 $0xFFFFFFFF;
	p2 =	slt.u32 s8, $0xFFFFF086  }
0x1c: {  	p1 =	slt.u32 s9, $0xF7A;
	s5 =	simm.s32 @!p2 $0x0  }
0x1d: {  	s5 =	simm.s32 @p1 $0x1;
	p0 =	seq.s32 s7, s2  }
0x1e: {  	s7 =	smul.u32 @!p0 $0xF7A, s2;
	p2 =	seq.s32 @!p0 s5, $0x0  }
0x1f: {  	s9 =	smul.u32 $0xF7A, s1;
	s8 =	simm.s32 @!p0 $0x1BF5;
	p2 =	por !p2, p0  }
0x20: {  	[sflag:s8] =	ssyncset.s32 @!p0 $0xFFFFF086;
	s6 =	sadd.s32 @!p0 s3, s7;
	s7 =	simm.s32 @!p0 $0x108  }
0x21: {  	s3 =	sadd.s32 s3, s9;
	s6 =	sadd.s32 @!p0 $0x88, s6;
	s7 =	simm.s32 @p2 $0x1082  }
0x22: {  	[simem:s7], [sflag:s8] =	dma.local @!p0 [hbm:s6], $0xF7A  }
0x23: {  	s9 =	sor.u32 $0xD0000000, s2;
	s6 =	simm.s32 $0x108;
	_ =	swait.ge @!p0 [sflag:s8], $0x0  }
0x24: {  	s3 =	sadd.s32 $0x88, s3;
	s6 =	simm.s32 @!p1 $0x1082;
	[sflag:s4] =	ssyncset.s32 $0xFFFFF086  }
0x25: {  	[simem:s6], [sflag:s4] =	dma.local [hbm:s3], $0xF7A  }
0x26: {  	[smem:$0x3F9F] =	sst s1;
	(tag) =	ssettag s2;
	_ =	strace s9  }
0x27: {  	s1 =	sld [smem:$0x3FAF]  }
0x28: {  	s2 =	sld [smem:$0x3FB0]  }
0x29: {  	s4 =	sld [smem:$0x3FB2]  }
0x2a: {  	p0 =	seq.s32 s5, $0x0;
	s5 =	sld [smem:$0x3FB3]  }
0x2b: {  	s6 =	sld [smem:$0x3FB4]  }
0x2c: {  	s7 =	sld [smem:$0x3FB5]  }
0x2d: {  	s3 =	simm.s32 $0x108;
	s8 =	sld [smem:$0x3FB6]  }
0x2e: {  	s3 =	simm.s32 @!p0 $0x1082;
	s9 =	sld [smem:$0x3FB7]  }
0x2f: {  	lr =	sadd.s32 s0, s3;
	s0 =	sld [smem:$0x3FAE]  }
0x30: {  	s3 =	sld [smem:$0x3FB1]  }
0x31: {  	[smem:$0x3FBA] =	sst s10  }
0x32: {  	s10 =	sld [smem:$0x3FB8];
	_ =	sdelay $0x3  }
0x33: {  	p0 =	seq.s32 s10, $0x1;
	s10 =	sld [smem:$0x3FBA];
	_ =	sdelay $0x3  }
0x34: {  	[smem:$0x3FBA] =	sst s10  }
0x35: {  	s10 =	sld [smem:$0x3FB9];
	_ =	sdelay $0x3  }
0x36: {  	p1 =	seq.s32 s10, $0x1;
	s10 =	sld [smem:$0x3FBA];
	_ =	sdelay $0x3  }
0x37: {  	[smem:$0x3FBA] =	sst s10  }
0x38: {  	s10 =	sld [smem:$0x3FBB]  }
0x39: {  	_ = 	snop;
	(pc) =	sbr.ind lr, $3  }
0x3a: {  	_ = 	snop  }
0x3b: {  	_ = 	snop  }
0x3c: {  	p2 =	seq.s32 s10, $0x1;
	s10 =	sld [smem:$0x3FBA]  }
0x3d: {  	_ =	shalt  }
0x3e: {  	_ =	shalt  }
0x3f: {  	_ =	shalt  }
0x40: {  	_ =	shalt  }
0x41: {  	_ =	shalt  }
0x42: {  	_ =	shalt  }
0x43: {  	_ =	shalt  }
0x44: {  	_ =	shalt  }
0x45: {  	_ =	shalt  }
0x46: {  	_ =	shalt  }
0x47: {  	_ =	shalt  }
0x48: {  	_ =	shalt  }
0x49: {  	_ =	shalt  }
0x4a: {  	_ =	shalt  }
0x4b: {  	_ =	shalt  }
0x4c: {  	_ =	shalt  }
0x4d: {  	_ =	shalt  }
0x4e: {  	_ =	shalt  }
0x4f: {  	_ =	shalt  }
0x50: {  	_ =	shalt  }
0x51: {  	_ =	shalt  }
0x52: {  	_ =	shalt  }
0x53: {  	_ =	shalt  }
0x54: {  	_ =	shalt  }
0x55: {  	_ =	shalt  }
0x56: {  	_ =	shalt  }
0x57: {  	_ =	shalt  }
0x58: {  	_ =	shalt  }
0x59: {  	_ =	shalt  }
0x5a: {  	_ =	shalt  }
0x5b: {  	_ =	shalt  }
0x5c: {  	_ =	shalt  }
0x5d: {  	_ =	shalt  }
0x5e: {  	_ =	shalt  }
0x5f: {  	_ =	shalt  }
0x60: {  	_ =	shalt  }
0x61: {  	_ =	shalt  }
0x62: {  	_ =	shalt  }
0x63: {  	_ =	shalt  }
0x64: {  	_ =	shalt  }
0x65: {  	_ =	shalt  }
0x66: {  	_ =	shalt  }
0x67: {  	_ =	shalt  }
0x68: {  	_ =	shalt  }
0x69: {  	_ =	shalt  }
0x6a: {  	_ =	shalt  }
0x6b: {  	_ =	shalt  }
0x6c: {  	_ =	shalt  }
0x6d: {  	_ =	shalt  }
0x6e: {  	_ =	shalt  }
0x6f: {  	_ =	shalt  }
0x70: {  	_ =	shalt  }
0x71: {  	_ =	shalt  }
0x72: {  	_ =	shalt  }
0x73: {  	_ =	shalt  }
0x74: {  	_ =	shalt  }
0x75: {  	_ =	shalt  }
0x76: {  	_ =	shalt  }
0x77: {  	_ =	shalt  }
0x78: {  	_ =	shalt  }
0x79: {  	_ =	shalt  }
0x7a: {  	_ =	shalt  }
0x7b: {  	_ =	shalt  }
0x7c: {  	_ =	shalt  }
0x7d: {  	_ =	shalt  }
0x7e: {  	_ =	shalt  }
0x7f: {  	_ =	shalt  }
0x80: {  	_ =	shalt  }
0x81: {  	_ =	shalt  }
0x82: {  	_ =	shalt  }
0x83: {  	_ =	shalt  }
0x84: {  	_ =	shalt  }
0x85: {  	_ =	shalt  }
0x86: {  	_ =	shalt  }
0x87: {  	_ =	shalt  }
.Lfunc_end0:
.L_simem_size_0:
called_computation_lowered:
.L_overlay_start_0:
0x88: {  	s2 =	sld [smem:$0x3FD9]  }
0x89: {  	s3 =	sld [smem:$0x3FFE];
	_ =	sdelay $0x1  }
0x8a: {  	s1 =	srdreg.scid  }
0x8b: {  	s0 =	sand.u32 $0x1, s1  }
0x8c: {  	s17 =	sshll.u32 s0, $0xA;
	s2 =	sadd.s32 s3, s2  }
0x8d: {  	s2 =	sadd.s32 s2, s17  }
0x8e: {  	[smem:$0x3FC6] =	sst s2  }
0x8f: {  	_ = 	snop  }
0x90: {  	s2 =	sld [smem:$0x3FC8]  }
0x91: {  	s18 =	sld [smem:$0x3FD0];
	(tm) =	ssettm $0x1  }
0x92: {  	s4 =	sld [smem:$0x3FFB];
	_ =	sdelay $0x3  }
0x93: {  	_ =	strace s4  }
0x94: {  	s4 =	sld [smem:$0x3FFC];
	_ =	sdelay $0x3  }
0x95: {  	_ =	strace s4  }
0x96: {  	s4 =	sld [smem:$0x3FFD];
	_ =	sdelay $0x3  }
0x97: {  	_ =	strace s4  }
0x98: {  	_ =	strace $0x8FFFFFFF  }
0x99: {  	s19 =	sld [smem:$0x3FDB];
	_ =	sdelay $0x1  }
0x9a: {  	s5 =	simm.s32 $_scs_section_size  }
0x9b: {  	s6 =	simm.s32 $_size__tile_overlayer_lowered;
	s7 =	simm.s32 $_tile_overlayer_lowered  }
0x9c: {  	s22 =	simm.s32 $0x1BFF;
	s21 =	sshll.u32 s7, $0x1;
	s4 =	sadd.s32 s5, s19  }
0x9d: {  	s8 =	simm.s32 $0x0;
	s20 =	sshll.u32 s6, $0x1;
	s6 =	sadd.s32 s21, s4  }
0x9e: {  	[timem:s8], [sflag:s22] =	dma.local [hbm:s6], s20  }
0x9f: {  	_ =	swait.ge [sflag:s22], s20  }
0xa0: {  	s5 =	ssub.s32 $0x0, s20;
	[sflag:s22] =	ssyncset.done $0x0  }
0xa1: {  	[sflag:s22] =	ssyncadd.s32 s5;
	_ =	sdelay $0x1  }
0xa2: {  	s23 =	simm.s32 $0x1B8B  }
0xa3: {  	_ =	swait.ge [sflag:s23], $0x1  }
0xa4: {  	[sflag:s23] =	ssyncset.done $0x0  }
0xa5: {  	s25 =	simm.s32 $0x1B8E;
	s24 =	sld [smem:$0x3FFE];
	[sflag:s23] =	ssyncadd.s32 $0xFFFFFFFF  }
0xa6: {  	s26 =	simm.s32 $execute0_lowered;
	[smem:$0x3FD2] =	sst s25  }
0xa7: {  	s6 =	sshll.u32 s26, $0x1;
	_ =	strace $0x80000046;
	[dreg:$0x1] =	wrdreg $0xFFFFFFFF  }
0xa8: {  	s28 =	simm.s32 $_size_execute0_lowered;
	s4 =	sadd.s32 s4, s6;
	[dreg:$0x0] =	wrdreg $0x0  }
0xa9: {  	s6 =	sshll.u32 s28, $0x1;
	[dreg:$0x2] =	wrdreg s4  }
0xaa: {  	[dreg:$0x3] =	wrdreg s6  }
0xab: {  	[dreg:$0x4] =	wrdreg $0xC0  }
0xac: {  	_ =	task [dreg:s8], $0x5FFFF  }
0xad: {  	[dreg:$0x1] =	wrdreg $0xFFFFFFFF  }
0xae: {  	[dreg:$0x0] =	wrdreg $0x60  }
0xaf: {  	[dreg:$0x2] =	wrdreg s24  }
0xb0: {  	[dreg:$0x3] =	wrdreg s2  }
0xb1: {  	[dreg:$0x4] =	wrdreg s18  }
0xb2: {  	[dreg:$0x5] =	wrdreg $0x9  }
0xb3: {  	_ =	task.clear_ibuf [dreg:s8], $0x6FFFF;
	_ =	strace $0x90000046  }
0xb4: {  	s29 =	simm.s32 $0x9;
	_ =	strace $0x80000048  }
0xb5: {  	_ =	swait.ge [sflag:s29], $0x1  }
0xb6: {  	[sflag:s29] =	ssyncadd.s32 $0xFFFFFFFF  }
0xb7: {  	_ =	strace $0x90000048  }
0xb8: {  	_ =	sfence  }
0xb9: {  	s30 =	sld [smem:$0x0];
	_ =	sdelay $0x2  }
0xba: {  	s31 =	sshll.u32 s1, $0xD;
	s1 =	sshrl.u32 s1, $0x2  }
0xbb: {  	s3 =	sand.u32 $0x4000, s31;
	s1 =	sadd.s32 s1, s30  }
0xbc: {  	s0 =	sor.u32 s3, s0;
	s1 =	sshll.u32 s1, $0x11  }
0xbd: {  	s0 =	sor.u32 s1, s0  }
0xbe: {  	s0 =	sadd.s32 $0x8F2B, s0  }
0xbf: {  	[sflag:s0] =	ssyncadd.remote.s32 $0x1  }
0xc0: {  	_ =	sfence.sel $0xFFFF  }
0xc1: {  	[dreg:$0x0] =	wrdreg $0xFFFFFFFF;
	(pc) =	sbr.abs _section_cstart, $3  }
0xc2: {  	[dreg:$0x1] =	wrdreg $0xFFFFFFFF  }
0xc3: {  	_ =	task.clear_ibuf [dreg:s8], $0x2FFFF;
	_ =	strace $0x9FFFFFFF  }
0xc4: {  	(tm) =	ssettm $0x7FFFFFFF  }
0xc5: {  	_ =	shalt  }
tec
execute0_lowered:
.L_overlay_start_1:
0x0: {  	(tag) =	ssettag $0x1  }
0x1: {  	s1 =	srdreg.scid;
	s7 =	rddreg [dreg:$0x0]  }
0x2: {  	s0 =	stileid.u32;
	s3 =	rddreg [dreg:$0x1]  }
0x3: {  	s4 =	rddreg [dreg:$0x2];
	s5 =	simm.s32 $0x0;
	s16 =	simm.s32 $0xC300  }
0x4: {  	s17 =	simm.s32 $0x18680;
	s18 =	simm.s32 $0x18700;
	s19 =	simm.s32 $0x5  }
0x5: {  	s20 =	simm.s32 $0x1;
	s21 =	simm.s32 $0x2;
	s22 =	simm.s32 $0x3  }
0x6: {  	s23 =	simm.s32 $0x4;
	s6 =	sand.u32 $0x1, s1;
	s25 =	sshll.u32 s0, $0x1  }
0x7: {  	s24 =	simm.s32 $0x0;
	[smem:$0x7FF] =	sst s5;
	s10 =	sor.u32 s6, s25  }
0x8: {  	_ =	strace $0x80000047;
	s29 =	ssub.s32 $0x2, s6;
	s1 =	smul.u32 $0xD, s10  }
0x9: {  	s6 =	sadd.s32 $0xC00, s7;
	s11 =	smul.u32 $0x280, s10;
	s30 =	sshrl.u32 s29, $0x1  }
0xa: {  	s7 =	sadd.s32 $0x400, s7;
	s10 =	smul.u32 $0x34, s10;
	s13 =	ssub.s32 s29, s30  }
0xb: {  	s2 =	sshrl.u32 s1, $0x4;
	s26 =	sshll.u32 s1, $0x1C;
	s28 =	sand.u32 $0x380, s11  }
0xc: {  	s31 =	sshll.u32 s1, $0x7;
	s12 =	sadd.s32 $0xC, s1;
	s15 =	sand.u32 $0x70, s1  }
0xd: {  	s10 =	sadd.s32 s7, s10;
	s8 =	smul.u32 $0x187000, s2;
	s9 =	sshra.s32 s26, $0x1F  }
0xe: {  	s13 =	smax.u32 s13, $0x1;
	s11 =	sand.u32 $0xC000, s31;
	s9 =	sand.u32 $0xC3800, s9  }
0xf: {  	s14 =	sshll.u32 s12, $0x4;
	s12 =	sshll.u32 s12, $0xB;
	s8 =	sadd.s32 s8, s9  }
0x10: {  	s15 =	sadd.s32 s6, s15;
	s14 =	sand.u32 $0x70, s14;
	s8 =	sor.u32 s28, s8  }
0x11: {  	s12 =	sand.u32 $0x1FC000, s12;
	s11 =	sadd.s32 s11, s15;
	s8 =	sshrl.u32 s8, $0x3  }
0x12: {  	s15 =	simm.s32 $0x400;
	s14 =	sadd.s32 s4, s14;
	s8 =	sadd.s32 s3, s8  }
0x13: {  	s12 =	sadd.s32 s12, s14;
	s14 =	simm.s32 $0x80;
	s9 =	sadd.s32 $0xC300, s8  }
.LBB2_1:
0x14: {  	[tilespmem:s5], [sflag:$0x1] =	stream.strided.gather [hbm4b:s8+s14], $0xC300, s15, s14, $0x38;
	[tilespmem:$0x1C700] =	vst v63  }
0x15: {  	_ = 	snop  }
0x16: {  	[tilespmem:s16], [sflag:$0x2] =	stream.strided.gather [hbm4b:s9+s14], $0xC380, s15, s14, $0x38;
	[tilespmem:$0x1C700] =	vst v63  }
0x17: {  	_ = 	snop  }
0x18: {  	[tilespmem:s17], [sflag:$0x3] =	stream.linear.gather [hbm4b:s10+s5], $0x20, $0x38;
	[tilespmem:$0x1C700] =	vst v63  }
0x19: {  	_ = 	snop  }
0x1a: {  	[tilespmem:s18], [sflag:$0x5] =	stream.strided.gather [hbm4b:s11+s14], $0x4000, s15, s14, $0x38;
	[tilespmem:$0x1C700] =	vst v63  }
0x1b: {  	_ =	swait.ge [sflag:s19], $0x4000  }
0x1c: {  	[sflag:s19] =	ssyncset.done $0x0  }
0x1d: {  	s25 =	simm.s32 $0x0;
	[sflag:s19] =	ssyncadd.s32 $0xFFFFC000  }
.LBB2_2:
0x1e: {  	_ =	swait.ge [sflag:s20], $0xC300  }
0x1f: {  	[sflag:s20] =	ssyncset.done $0x0  }
0x20: {  	[sflag:s20] =	ssyncadd.s32 $0xFFFF3D00  }
0x21: {  	_ =	swait.ge [sflag:s21], $0xC380  }
0x22: {  	[sflag:s21] =	ssyncset.done $0x0  }
0x23: {  	[sflag:s21] =	ssyncadd.s32 $0xFFFF3C80  }
0x24: {  	_ =	swait.ge [sflag:s22], $0x20  }
0x25: {  	[sflag:s22] =	ssyncset.done $0x0  }
0x26: {  	s26 =	simm.s32 $0x18740;
	[sflag:s22] =	ssyncadd.s32 $0xFFFFFFE0  }
0x27: {  	v0 =	vld [tilespmem:s26+$0x30]  }
0x28: {  	v1 =	vld [tilespmem:s26+$0xFFFFFFD0]  }
0x29: {  	v2 =	vld [tilespmem:s26+$0xFFFFFFE0]  }
0x2a: {  	v3 =	vld [tilespmem:s26+$0xFFFFFFF0]  }
0x2b: {  	v6 =	vld [tilespmem:s26+$0x0]  }
0x2c: {  	v7 =	vld [tilespmem:s26+$0x10]  }
0x2d: {  	v8 =	vld [tilespmem:s26+$0x20]  }
0x2e: {  	v9 =	vld [tilespmem:s26+$0xFFFFFFC0]  }
0x2f: {  	v10 =	vld.idx.msk [tilespmem:v0+s5+$0x0], $0xffff  }
0x30: {  	v11 =	vld.idx.msk [tilespmem:v1+s5+$0x0], $0xffff  }
0x31: {  	v5 =	vld.idx.msk [tilespmem:v2+s5+$0x0], $0xffff  }
0x32: {  	v4 =	vld.idx.msk [tilespmem:v3+s5+$0x0], $0xffff  }
0x33: {  	v3 =	vld.idx.msk [tilespmem:v6+s5+$0x0], $0xffff  }
0x34: {  	v1 =	vld.idx.msk [tilespmem:v7+s5+$0x0], $0xffff  }
0x35: {  	v0 =	vld.idx.msk [tilespmem:v8+s5+$0x0], $0xffff;
	[tilespmem:s26+$0x30] =	vst v10  }
0x36: {  	s28 =	simm.s32 $0x0;
	s29 =	simm.s32 $0x187C0;
	v2 =	vld.idx.msk [tilespmem:v9+s5+$0x0], $0xffff;
	[tilespmem:s26+$0xFFFFFFD0] =	vst v11  }
.LBB2_3:
0x37: {  	v6 =	vld [tilespmem:s29+$0x30];
	s28 =	sadd.s32 $0x80, s28;
	[tilespmem:s26+$0xFFFFFFE0] =	vst v5  }
0x38: {  	v5 =	vld [tilespmem:s29+$0xFFFFFFD0];
	p0 =	slt.u32 s28, $0x3F80;
	[tilespmem:s26+$0xFFFFFFF0] =	vst v4  }
0x39: {  	v4 =	vld [tilespmem:s29+$0xFFFFFFE0];
	[tilespmem:s26+$0x0] =	vst v3  }
0x3a: {  	v3 =	vld [tilespmem:s29+$0xFFFFFFF0];
	[tilespmem:s26+$0x10] =	vst v1  }
0x3b: {  	v1 =	vld [tilespmem:s29+$0x0];
	[tilespmem:s26+$0x20] =	vst v0  }
0x3c: {  	v0 =	vld [tilespmem:s29+$0x10];
	[tilespmem:s26+$0xFFFFFFC0] =	vst v2;
	s26 =	smov.u32 s29  }
0x3d: {  	v2 =	vld [tilespmem:s29+$0x20]  }
0x3e: {  	v7 =	vld [tilespmem:s29+$0xFFFFFFC0]  }
0x3f: {  	v6 =	vld.idx.msk [tilespmem:v6+s5+$0x0], $0xffff  }
0x40: {  	v8 =	vld.idx.msk [tilespmem:v5+s5+$0x0], $0xffff  }
0x41: {  	v5 =	vld.idx.msk [tilespmem:v4+s5+$0x0], $0xffff  }
.Ltmp0:
0x42: {  	v4 =	vld.idx.msk [tilespmem:v3+s5+$0x0], $0xffff;
	(pc) =	sbr.rel @p0 .LBB2_3-.Ltmp0, $4  }
0x43: {  	v3 =	vld.idx.msk [tilespmem:v1+s5+$0x0], $0xffff  }
0x44: {  	v1 =	vld.idx.msk [tilespmem:v0+s5+$0x0], $0xffff  }
0x45: {  	v0 =	vld.idx.msk [tilespmem:v2+s5+$0x0], $0xffff;
	[tilespmem:s29+$0x30] =	vst v6  }
0x46: {  	s29 =	sadd.s32 $0x80, s29;
	v2 =	vld.idx.msk [tilespmem:v7+s5+$0x0], $0xffff;
	[tilespmem:s26+$0xFFFFFFD0] =	vst v8  }
0x47: {  	s28 =	sadd.s32 s1, s25  }
0x48: {  	s29 =	sadd.s32 $0x1, s28  }
0x49: {  	s30 =	sshrl.u32 s29, $0x4;
	s31 =	sshll.u32 s29, $0x1C  }
0x4a: {  	[tilespmem:s26+$0xFFFFFFE0] =	vst v5;
	s30 =	smul.u32 $0x187000, s30;
	s31 =	sshra.s32 s31, $0x1F  }
0x4b: {  	[tilespmem:s26+$0xFFFFFFF0] =	vst v4;
	s2 =	sshll.u32 s29, $0x7;
	s31 =	sand.u32 $0xC3800, s31  }
0x4c: {  	[tilespmem:s26+$0x0] =	vst v3;
	s2 =	sand.u32 $0x380, s2;
	s30 =	sadd.s32 s30, s31  }
0x4d: {  	[tilespmem:s26+$0x10] =	vst v1;
	s2 =	sor.u32 s2, s30  }
0x4e: {  	[tilespmem:s26+$0x20] =	vst v0;
	s2 =	sshrl.u32 s2, $0x3  }
0x4f: {  	[tilespmem:s26+$0xFFFFFFC0] =	vst v2;
	s2 =	sadd.s32 s3, s2  }
0x50: {  	[tilespmem:s5], [sflag:$0x1] =	stream.strided.gather [hbm4b:s2+s14], $0xC300, s15, s14, $0x38;
	[tilespmem:$0x1C700] =	vst v63  }
0x51: {  	s31 =	sshll.u32 s29, $0x2;
	s2 =	sadd.s32 $0xC300, s2  }
0x52: {  	[tilespmem:s16], [sflag:$0x2] =	stream.strided.gather [hbm4b:s2+s14], $0xC380, s15, s14, $0x38;
	[tilespmem:$0x1C700] =	vst v63  }
0x53: {  	s2 =	sand.u32 $0x1FFFFFFC, s31  }
0x54: {  	s26 =	sshll.u32 s28, $0x4;
	s2 =	sadd.s32 s7, s2  }
0x55: {  	[tilespmem:s17], [sflag:$0x3] =	stream.linear.gather [hbm4b:s2+s5], $0x20, $0x38;
	[tilespmem:$0x1C700] =	vst v63  }
0x56: {  	s28 =	sshll.u32 s28, $0xB;
	s2 =	sand.u32 $0x70, s26  }
0x57: {  	s26 =	sand.u32 $0xFFFC000, s28;
	s2 =	sadd.s32 s4, s2  }
0x58: {  	s30 =	sshll.u32 s29, $0xA;
	s31 =	sshll.u32 s29, $0x3;
	s2 =	sadd.s32 s26, s2  }
0x59: {  	[hbm4b:s2+s14] =	stream.strided.scatter [tilespmem:s18], [sflag:$0x4], $0x4000, s15, s14, $0x38;
	[tilespmem:$0x1C700] =	vst v63  }
0x5a: {  	s26 =	sand.u32 $0x380, s31;
	s2 =	sand.u32 $0xFFFE0000, s30  }
0x5b: {  	s25 =	sadd.s32 $0x1, s25;
	_ =	swait.ge [sflag:s23], $0x4000;
	s2 =	sor.u32 s26, s2  }
0x5c: {  	p0 =	sne.s32 s25, $0xC;
	[sflag:s23] =	ssyncset.done $0x0;
	s2 =	sshrl.u32 s2, $0x3  }
.Ltmp1:
0x5d: {  	[sflag:s23] =	ssyncadd.s32 $0xFFFFC000;
	s2 =	sadd.s32 s6, s2;
	(pc) =	sbr.rel @p0 .LBB2_2-.Ltmp1, $4  }
0x5e: {  	[tilespmem:s18], [sflag:$0x5] =	stream.strided.gather [hbm4b:s2+s14], $0x4000, s15, s14, $0x38;
	[tilespmem:$0x1C700] =	vst v63  }
0x5f: {  	_ =	swait.ge [sflag:s19], $0x4000  }
0x60: {  	[sflag:s19] =	ssyncset.done $0x0  }
0x61: {  	[sflag:s19] =	ssyncadd.s32 $0xFFFFC000  }
0x62: {  	_ =	swait.ge [sflag:s20], $0xC300  }
0x63: {  	[sflag:s20] =	ssyncset.done $0x0  }
0x64: {  	[sflag:s20] =	ssyncadd.s32 $0xFFFF3D00  }
0x65: {  	_ =	swait.ge [sflag:s21], $0xC380  }
0x66: {  	[sflag:s21] =	ssyncset.done $0x0  }
0x67: {  	[sflag:s21] =	ssyncadd.s32 $0xFFFF3C80  }
0x68: {  	_ =	swait.ge [sflag:s22], $0x20  }
0x69: {  	[sflag:s22] =	ssyncset.done $0x0  }
0x6a: {  	s25 =	simm.s32 $0x18740;
	[sflag:s22] =	ssyncadd.s32 $0xFFFFFFE0  }
0x6b: {  	v0 =	vld [tilespmem:s25+$0x30]  }
0x6c: {  	v1 =	vld [tilespmem:s25+$0xFFFFFFD0]  }
0x6d: {  	v2 =	vld [tilespmem:s25+$0xFFFFFFE0]  }
0x6e: {  	v3 =	vld [tilespmem:s25+$0xFFFFFFF0]  }
0x6f: {  	v6 =	vld [tilespmem:s25+$0x0]  }
0x70: {  	v7 =	vld [tilespmem:s25+$0x10]  }
0x71: {  	v8 =	vld [tilespmem:s25+$0x20]  }
0x72: {  	v9 =	vld [tilespmem:s25+$0xFFFFFFC0]  }
0x73: {  	v10 =	vld.idx.msk [tilespmem:v0+s5+$0x0], $0xffff  }
0x74: {  	v11 =	vld.idx.msk [tilespmem:v1+s5+$0x0], $0xffff  }
0x75: {  	v5 =	vld.idx.msk [tilespmem:v2+s5+$0x0], $0xffff  }
0x76: {  	v4 =	vld.idx.msk [tilespmem:v3+s5+$0x0], $0xffff  }
0x77: {  	v2 =	vld.idx.msk [tilespmem:v6+s5+$0x0], $0xffff  }
0x78: {  	v1 =	vld.idx.msk [tilespmem:v7+s5+$0x0], $0xffff  }
0x79: {  	v0 =	vld.idx.msk [tilespmem:v8+s5+$0x0], $0xffff;
	[tilespmem:s25+$0x30] =	vst v10  }
0x7a: {  	s26 =	simm.s32 $0x0;
	s28 =	simm.s32 $0x187C0;
	v3 =	vld.idx.msk [tilespmem:v9+s5+$0x0], $0xffff;
	[tilespmem:s25+$0xFFFFFFD0] =	vst v11  }
.LBB2_6:
0x7b: {  	v6 =	vld [tilespmem:s28+$0x30];
	s26 =	sadd.s32 $0x80, s26;
	[tilespmem:s25+$0xFFFFFFE0] =	vst v5  }
0x7c: {  	v5 =	vld [tilespmem:s28+$0xFFFFFFD0];
	p0 =	slt.u32 s26, $0x3F80;
	[tilespmem:s25+$0xFFFFFFF0] =	vst v4  }
0x7d: {  	v4 =	vld [tilespmem:s28+$0xFFFFFFE0];
	[tilespmem:s25+$0x0] =	vst v2  }
0x7e: {  	v2 =	vld [tilespmem:s28+$0xFFFFFFF0];
	[tilespmem:s25+$0x10] =	vst v1  }
0x7f: {  	v1 =	vld [tilespmem:s28+$0x0];
	[tilespmem:s25+$0x20] =	vst v0  }
0x80: {  	v0 =	vld [tilespmem:s28+$0x10];
	[tilespmem:s25+$0xFFFFFFC0] =	vst v3;
	s25 =	smov.u32 s28  }
0x81: {  	v3 =	vld [tilespmem:s28+$0x20]  }
0x82: {  	v7 =	vld [tilespmem:s28+$0xFFFFFFC0]  }
0x83: {  	v6 =	vld.idx.msk [tilespmem:v6+s5+$0x0], $0xffff  }
0x84: {  	v8 =	vld.idx.msk [tilespmem:v5+s5+$0x0], $0xffff  }
0x85: {  	v5 =	vld.idx.msk [tilespmem:v4+s5+$0x0], $0xffff  }
.Ltmp2:
0x86: {  	v4 =	vld.idx.msk [tilespmem:v2+s5+$0x0], $0xffff;
	(pc) =	sbr.rel @p0 .LBB2_6-.Ltmp2, $4  }
0x87: {  	v2 =	vld.idx.msk [tilespmem:v1+s5+$0x0], $0xffff  }
0x88: {  	v1 =	vld.idx.msk [tilespmem:v0+s5+$0x0], $0xffff  }
0x89: {  	v0 =	vld.idx.msk [tilespmem:v3+s5+$0x0], $0xffff;
	[tilespmem:s28+$0x30] =	vst v6  }
0x8a: {  	s28 =	sadd.s32 $0x80, s28;
	v3 =	vld.idx.msk [tilespmem:v7+s5+$0x0], $0xffff;
	[tilespmem:s25+$0xFFFFFFD0] =	vst v8  }
0x8b: {  	[tilespmem:s25+$0xFFFFFFE0] =	vst v5  }
0x8c: {  	[tilespmem:s25+$0xFFFFFFF0] =	vst v4  }
0x8d: {  	[tilespmem:s25+$0x0] =	vst v2  }
0x8e: {  	s24 =	sadd.s32 $0x1, s24;
	[tilespmem:s25+$0x10] =	vst v1  }
0x8f: {  	p0 =	sne.s32 s24, s13;
	[tilespmem:s25+$0x20] =	vst v0  }
.Ltmp3:
0x90: {  	[tilespmem:s25+$0xFFFFFFC0] =	vst v3;
	(pc) =	sbr.rel @p0 .LBB2_1-.Ltmp3, $4  }
0x91: {  	[hbm4b:s12+s14] =	stream.strided.scatter [tilespmem:s18], [sflag:$0x4], $0x4000, s15, s14, $0x38;
	[tilespmem:$0x1C700] =	vst v63  }
0x92: {  	_ =	swait.ge [sflag:s23], $0x4000  }
0x93: {  	[sflag:s23] =	ssyncset.done $0x0  }
0x94: {  	[sflag:s23] =	ssyncadd.s32 $0xFFFFC000  }
0x95: {  	_ =	sfence.sel $0x180000  }
0x96: {  	[bflag:$0x0] =	sbarrier.arrive $0xFFFF  }
0x97: {  	_ =	strace $0x90000047  }
0x98: {  	[bflag:$0x2] =	sbarrier.arrive $0xFFFF  }
0x99: {  	p0 =	sne.s32 s0, $0x0;
	s0 =	rddreg [dreg:$0x3]  }
0x9a: {  	s0 =	sadd.s32 @!p0 $0x100000, s0  }
0x9b: {  	[sflag:s0] =	ssyncadd.tile.s32 @!p0 $0x1;
	_ =	shalt  }
.Lfunc_end2:
_tile_overlayer_lowered:
.L_overlay_start_2:
0x9c: {  	(tag) =	ssettag $0x2  }
0x9d: {  	s0 =	rddreg [dreg:$0x0];
	s2 =	stileid.u32  }
0x9e: {  	s1 =	rddreg [dreg:$0x1];
	p0 =	sne.s32 s2, $0x0  }
0x9f: {  	s3 =	rddreg [dreg:$0x2];
	[bflag:$0x3] =	sbarrier.arrive $0xFFFF;
	s2 =	simm.s32 @!p0 $0x1C05  }
0xa0: {  	[timem:s3], [sflag:s2] =	dma.local @!p0 [hbm:s0], s1  }
0xa1: {  	s0 =	simm.s32 @!p0 $0x5  }
0xa2: {  	_ =	swait.ge @!p0 [sflag:s0], s1  }
0xa3: {  	s1 =	ssub.s32 @!p0 $0x0, s1;
	[sflag:s0] =	ssyncset.done @!p0 $0x0  }
0xa4: {  	[sflag:s0] =	ssyncadd.s32 @!p0 s1  }
0xa5: {  	[bflag:$0x3] =	sbarrier.arrive $0xFFFF  }
0xa6: {  	_ =	shalt  }

</sc_bundles>
